<compile_context>
chip_gen: v7x
topology: tpu7x:2x2x1
jax: 0.10.2.dev20260603
libtpu: 0.0.44.dev20260713+nightly
codegen_flags: <defaults>
</compile_context>

<pallas_src>
import functools

import jax
import jax.numpy as jnp
from jax import lax
from jax.experimental import pallas as pl
from jax.experimental.pallas import tpu as pltpu
from jax.experimental.pallas import tpu_sc as plsc

EMBED_DIM = 16
NC, NS = 2, 16
NW = NC * NS
CHUNK = 3200


def _emb_lookup(table, ids):
    nb = ids.shape[0]
    ids_per_w = nb // NW
    n_chunks = ids_per_w // CHUNK
    assert n_chunks % 2 == 0 and n_chunks >= 4
    mesh = plsc.VectorSubcoreMesh(core_axis_name="c", subcore_axis_name="s")

    @functools.partial(
        pl.kernel,
        mesh=mesh,
        compiler_params=pltpu.CompilerParams(use_tc_tiling_on_sc=False),
        out_type=jax.ShapeDtypeStruct((nb, EMBED_DIM), jnp.float32),
        scratch_types=[
            pltpu.VMEM((CHUNK,), jnp.int32),
            pltpu.VMEM((CHUNK,), jnp.int32),
            pltpu.VMEM((CHUNK, EMBED_DIM), jnp.float32),
            pltpu.VMEM((CHUNK, EMBED_DIM), jnp.float32),
            pltpu.SemaphoreType.DMA,
            pltpu.SemaphoreType.DMA,
            pltpu.SemaphoreType.DMA,
            pltpu.SemaphoreType.DMA,
            pltpu.SemaphoreType.DMA,
            pltpu.SemaphoreType.DMA,
        ],
    )
    def emb_kernel(
        table_hbm, idx_hbm, out_hbm,
        idx_v0, idx_v1, rows_v0, rows_v1,
        isem0, isem1, gsem0, gsem1, wsem0, wsem1,
    ):
        wid = lax.axis_index("s") * NC + lax.axis_index("c")
        base = wid * ids_per_w
        slots = (
            (idx_v0, rows_v0, isem0, gsem0, wsem0),
            (idx_v1, rows_v1, isem1, gsem1, wsem1),
        )

        def out_at(g):
            return out_hbm.at[pl.ds(base + g * CHUNK, CHUNK)]

        def idx_at(g):
            return idx_hbm.at[pl.ds(base + g * CHUNK, CHUNK)]

        def idx_load(g, s):
            pltpu.async_copy(idx_at(g), s[0], s[2])

        def wait_idx(g, s):
            pltpu.make_async_copy(idx_at(g), s[0], s[2]).wait()

        def fire_gather(s):
            pltpu.async_copy(table_hbm.at[s[0]], s[1], s[3])

        def drain_gather(g, s):
            pltpu.make_async_copy(out_at(g), s[1], s[3]).wait()

        def writeback(g, s):
            pltpu.async_copy(s[1], out_at(g), s[4])

        def wait_writeback(g, s):
            pltpu.make_async_copy(s[1], out_at(g), s[4]).wait()

        def make_step(parity):
            s = slots[parity]
            o = slots[1 - parity]

            def run(g, first=False, prefetch=True):
                wait_idx(g, s)
                if not first:
                    wait_writeback(g - 2, s)
                fire_gather(s)
                drain_gather(g - 1, o)
                writeback(g - 1, o)
                if prefetch:
                    idx_load(g + 1, o)

            return run

        step1 = make_step(1)
        step0 = make_step(0)

        idx_load(0, slots[0])
        idx_load(1, slots[1])
        wait_idx(0, slots[0])
        fire_gather(slots[0])
        step1(1, first=True)
        step0(2)

        def body(t, carry):
            g = 3 + 2 * t
            step1(g)
            step0(g + 1)
            return carry

        lax.fori_loop(0, (n_chunks - 4) // 2, body, 0)

        step1(n_chunks - 1, prefetch=False)

        last = n_chunks - 1
        drain_gather(last, slots[1])
        writeback(last, slots[1])
        wait_writeback(last - 1, slots[0])
        wait_writeback(last, slots[1])

    return emb_kernel(table, ids)


def kernel(input_ids, table):
    b, s = input_ids.shape
    ids = input_ids.reshape(b * s).astype(jnp.int32)
    out = _emb_lookup(table, ids)
    return out.reshape(b, s, EMBED_DIM)

# --- scband reference (transcript-rebuilt; emitter-appended) ---
"""Pipeline reference for scband-dynamic-embedding-52690658787381 (READ-ONLY COPY).

The authoritative reference and input builder live on the scoring server;
editing this copy changes nothing except your own understanding.
"""

import jax, jax.numpy as jnp
import numpy as np

VOCAB = 1000000
EMBED_DIM = 16

def setup_inputs(seed: int = 0) -> dict:
    key = jax.random.key(seed)
    k_idx, k_tab = jax.random.split(key)
    input_ids = jax.random.randint(k_idx, (16384, 200), 0, VOCAB, dtype=jnp.int64 if jax.config.jax_enable_x64 else jnp.int32)
    # _DynamicEmbedding grows the table to max(id)+1; rows are normal(0, 0.02).
    # Materialize the fully-grown table sized to the vocab upper bound.
    table = jax.random.normal(k_tab, (VOCAB, EMBED_DIM), dtype=jnp.float32) * 0.02
    return {"input_ids": input_ids, "table": table}

def reference(input_ids, table):
    # forward: ensure capacity (table already sized >= max(id)+1), then embedding lookup
    return jnp.take(table, input_ids, axis=0)

if __name__ == "__main__":
    import jax
    _d = setup_inputs()
    print(jax.jit(kernel)(*tuple(_d.values())))

</pallas_src>

<mosaic_0001>
#map = affine_map<(d0, d1) -> (0, 0)>
#map1 = affine_map<(d0, d1) -> (0)>
module attributes {stable_mosaic.version = 14 : i64} {
  func.func @emb_kernel(%arg0: i32, %arg1: i32, %arg2: memref<1000000x16xf32, #tpu.memory_space<hbm>>, %arg3: memref<3276800xi32, #tpu.memory_space<hbm>>, %arg4: memref<3276800x16xf32, #tpu.memory_space<hbm>>, %arg5: memref<3200xi32, #tpu.memory_space<vmem>>, %arg6: memref<3200xi32, #tpu.memory_space<vmem>>, %arg7: memref<3200x16xf32, #tpu.memory_space<vmem>>, %arg8: memref<3200x16xf32, #tpu.memory_space<vmem>>, %arg9: memref<!tpu.dma_semaphore, #tpu.memory_space<semaphore_mem>>, %arg10: memref<!tpu.dma_semaphore, #tpu.memory_space<semaphore_mem>>, %arg11: memref<!tpu.dma_semaphore, #tpu.memory_space<semaphore_mem>>, %arg12: memref<!tpu.dma_semaphore, #tpu.memory_space<semaphore_mem>>, %arg13: memref<!tpu.dma_semaphore, #tpu.memory_space<semaphore_mem>>, %arg14: memref<!tpu.dma_semaphore, #tpu.memory_space<semaphore_mem>>) attributes {dimension_semantics = [#tpu.dimension_semantics<core_parallel>, #tpu.dimension_semantics<subcore_parallel>], iteration_bounds = array<i64: 2, 16>, scalar_prefetch = 0 : i64, scratch_operands = 10 : i64, tpu.core_type = #tpu.core_type<sc_vector_subcore>, window_params = [{transform_indices = #map}, {transform_indices = #map1}, {transform_indices = #map}]} {
    %mul3A = arith.constant 2 : i32
    %mul3A_0 = arith.muli %arg1, %mul3A : i32
    %add3A = arith.addi %mul3A_0, %arg0 : i32
    %mul3A_1 = arith.constant 102400 : i32
    %mul3A_2 = arith.muli %add3A, %mul3A_1 : i32
    %add3A_3 = arith.constant 0 : i32
    %add3A_4 = arith.addi %mul3A_2, %add3A_3 : i32
    %dma_start3A = tpu.memref_slice %arg3[%add3A_4] : memref<3276800xi32, #tpu.memory_space<hbm>> -> memref<3200xi32, #tpu.memory_space<hbm>>
    %dma_start3A_5 = tpu.memref_slice %arg3[%add3A_4] : memref<3276800xi32, #tpu.memory_space<hbm>> -> memref<3200xi32, #tpu.memory_space<hbm>>
    tpu.enqueue_dma source(%dma_start3A_5 : memref<3200xi32, #tpu.memory_space<hbm>>) target(%arg5 : memref<3200xi32, #tpu.memory_space<vmem>>) target_semaphore(%arg9 : memref<!tpu.dma_semaphore, #tpu.memory_space<semaphore_mem>>)
    %add3A_6 = arith.constant 3200 : i32
    %add3A_7 = arith.addi %mul3A_2, %add3A_6 : i32
    %dma_start3A_8 = tpu.memref_slice %arg3[%add3A_7] : memref<3276800xi32, #tpu.memory_space<hbm>> -> memref<3200xi32, #tpu.memory_space<hbm>>
    %dma_start3A_9 = tpu.memref_slice %arg3[%add3A_7] : memref<3276800xi32, #tpu.memory_space<hbm>> -> memref<3200xi32, #tpu.memory_space<hbm>>
    tpu.enqueue_dma source(%dma_start3A_9 : memref<3200xi32, #tpu.memory_space<hbm>>) target(%arg6 : memref<3200xi32, #tpu.memory_space<vmem>>) target_semaphore(%arg10 : memref<!tpu.dma_semaphore, #tpu.memory_space<semaphore_mem>>)
    %add3A_10 = arith.constant 0 : i32
    %add3A_11 = arith.addi %mul3A_2, %add3A_10 : i32
    %dma_wait3A = tpu.memref_slice %arg3[%add3A_11] : memref<3276800xi32, #tpu.memory_space<hbm>> -> memref<3200xi32, #tpu.memory_space<hbm>>
    %dma_wait3A_12 = tpu.memref_slice %arg3[%add3A_11] : memref<3276800xi32, #tpu.memory_space<hbm>> -> memref<3200xi32, #tpu.memory_space<hbm>>
    tpu.wait_dma2 semaphore(%arg9 : memref<!tpu.dma_semaphore, #tpu.memory_space<semaphore_mem>>) src(%dma_wait3A_12 : memref<3200xi32, #tpu.memory_space<hbm>>) dst(%arg5 : memref<3200xi32, #tpu.memory_space<vmem>>)
    %dma_start3A_13 = arith.constant 0 : i32
    %dma_start3A_14 = arith.constant 0 : i32
    %dma_start3A_15 = tpu.memref_slice %arg2[%dma_start3A_13, %dma_start3A_14] : memref<1000000x16xf32, #tpu.memory_space<hbm>> -> memref<1000000x16xf32, #tpu.memory_space<hbm>>
    tpu.enqueue_indirect_dma source(%dma_start3A_15 : memref<1000000x16xf32, #tpu.memory_space<hbm>>) target(%arg7 : memref<3200x16xf32, #tpu.memory_space<vmem>>) offsets(%arg5 : memref<3200xi32, #tpu.memory_space<vmem>>) semaphore(%arg11 : memref<!tpu.dma_semaphore, #tpu.memory_space<semaphore_mem>>)
    %add3A_16 = arith.constant 3200 : i32
    %add3A_17 = arith.addi %mul3A_2, %add3A_16 : i32
    %dma_wait3A_18 = tpu.memref_slice %arg3[%add3A_17] : memref<3276800xi32, #tpu.memory_space<hbm>> -> memref<3200xi32, #tpu.memory_space<hbm>>
    %dma_wait3A_19 = tpu.memref_slice %arg3[%add3A_17] : memref<3276800xi32, #tpu.memory_space<hbm>> -> memref<3200xi32, #tpu.memory_space<hbm>>
    tpu.wait_dma2 semaphore(%arg10 : memref<!tpu.dma_semaphore, #tpu.memory_space<semaphore_mem>>) src(%dma_wait3A_19 : memref<3200xi32, #tpu.memory_space<hbm>>) dst(%arg6 : memref<3200xi32, #tpu.memory_space<vmem>>)
    %dma_start3A_20 = arith.constant 0 : i32
    %dma_start3A_21 = arith.constant 0 : i32
    %dma_start3A_22 = tpu.memref_slice %arg2[%dma_start3A_20, %dma_start3A_21] : memref<1000000x16xf32, #tpu.memory_space<hbm>> -> memref<1000000x16xf32, #tpu.memory_space<hbm>>
    tpu.enqueue_indirect_dma source(%dma_start3A_22 : memref<1000000x16xf32, #tpu.memory_space<hbm>>) target(%arg8 : memref<3200x16xf32, #tpu.memory_space<vmem>>) offsets(%arg6 : memref<3200xi32, #tpu.memory_space<vmem>>) semaphore(%arg12 : memref<!tpu.dma_semaphore, #tpu.memory_space<semaphore_mem>>)
    %add3A_23 = arith.constant 0 : i32
    %add3A_24 = arith.addi %mul3A_2, %add3A_23 : i32
    %dma_wait3A_25 = arith.constant 0 : i32
    %dma_wait3A_26 = tpu.memref_slice %arg4[%add3A_24, %dma_wait3A_25] : memref<3276800x16xf32, #tpu.memory_space<hbm>> -> memref<3200x16xf32, #tpu.memory_space<hbm>>
    %dma_wait3A_27 = arith.constant 0 : i32
    %dma_wait3A_28 = tpu.memref_slice %arg4[%add3A_24, %dma_wait3A_27] : memref<3276800x16xf32, #tpu.memory_space<hbm>> -> memref<3200x16xf32, #tpu.memory_space<hbm>>
    tpu.wait_dma2 semaphore(%arg11 : memref<!tpu.dma_semaphore, #tpu.memory_space<semaphore_mem>>) src(%dma_wait3A_28 : memref<3200x16xf32, #tpu.memory_space<hbm>>) dst(%arg7 : memref<3200x16xf32, #tpu.memory_space<vmem>>)
    %add3A_29 = arith.constant 0 : i32
    %add3A_30 = arith.addi %mul3A_2, %add3A_29 : i32
    %dma_start3A_31 = arith.constant 0 : i32
    %dma_start3A_32 = tpu.memref_slice %arg4[%add3A_30, %dma_start3A_31] : memref<3276800x16xf32, #tpu.memory_space<hbm>> -> memref<3200x16xf32, #tpu.memory_space<hbm>>
    %dma_start3A_33 = arith.constant 0 : i32
    %dma_start3A_34 = tpu.memref_slice %arg4[%add3A_30, %dma_start3A_33] : memref<3276800x16xf32, #tpu.memory_space<hbm>> -> memref<3200x16xf32, #tpu.memory_space<hbm>>
    tpu.enqueue_dma source(%arg7 : memref<3200x16xf32, #tpu.memory_space<vmem>>) target(%dma_start3A_34 : memref<3200x16xf32, #tpu.memory_space<hbm>>) target_semaphore(%arg13 : memref<!tpu.dma_semaphore, #tpu.memory_space<semaphore_mem>>)
    %add3A_35 = arith.constant 6400 : i32
    %add3A_36 = arith.addi %mul3A_2, %add3A_35 : i32
    %dma_start3A_37 = tpu.memref_slice %arg3[%add3A_36] : memref<3276800xi32, #tpu.memory_space<hbm>> -> memref<3200xi32, #tpu.memory_space<hbm>>
    %dma_start3A_38 = tpu.memref_slice %arg3[%add3A_36] : memref<3276800xi32, #tpu.memory_space<hbm>> -> memref<3200xi32, #tpu.memory_space<hbm>>
    tpu.enqueue_dma source(%dma_start3A_38 : memref<3200xi32, #tpu.memory_space<hbm>>) target(%arg5 : memref<3200xi32, #tpu.memory_space<vmem>>) target_semaphore(%arg9 : memref<!tpu.dma_semaphore, #tpu.memory_space<semaphore_mem>>)
    %add3A_39 = arith.constant 6400 : i32
    %add3A_40 = arith.addi %mul3A_2, %add3A_39 : i32
    %dma_wait3A_41 = tpu.memref_slice %arg3[%add3A_40] : memref<3276800xi32, #tpu.memory_space<hbm>> -> memref<3200xi32, #tpu.memory_space<hbm>>
    %dma_wait3A_42 = tpu.memref_slice %arg3[%add3A_40] : memref<3276800xi32, #tpu.memory_space<hbm>> -> memref<3200xi32, #tpu.memory_space<hbm>>
    tpu.wait_dma2 semaphore(%arg9 : memref<!tpu.dma_semaphore, #tpu.memory_space<semaphore_mem>>) src(%dma_wait3A_42 : memref<3200xi32, #tpu.memory_space<hbm>>) dst(%arg5 : memref<3200xi32, #tpu.memory_space<vmem>>)
    %add3A_43 = arith.constant 0 : i32
    %add3A_44 = arith.addi %mul3A_2, %add3A_43 : i32
    %dma_wait3A_45 = arith.constant 0 : i32
    %dma_wait3A_46 = tpu.memref_slice %arg4[%add3A_44, %dma_wait3A_45] : memref<3276800x16xf32, #tpu.memory_space<hbm>> -> memref<3200x16xf32, #tpu.memory_space<hbm>>
    %dma_wait3A_47 = arith.constant 0 : i32
    %dma_wait3A_48 = tpu.memref_slice %arg4[%add3A_44, %dma_wait3A_47] : memref<3276800x16xf32, #tpu.memory_space<hbm>> -> memref<3200x16xf32, #tpu.memory_space<hbm>>
    tpu.wait_dma2 semaphore(%arg13 : memref<!tpu.dma_semaphore, #tpu.memory_space<semaphore_mem>>) src(%arg7 : memref<3200x16xf32, #tpu.memory_space<vmem>>) dst(%dma_wait3A_48 : memref<3200x16xf32, #tpu.memory_space<hbm>>)
    %dma_start3A_49 = arith.constant 0 : i32
    %dma_start3A_50 = arith.constant 0 : i32
    %dma_start3A_51 = tpu.memref_slice %arg2[%dma_start3A_49, %dma_start3A_50] : memref<1000000x16xf32, #tpu.memory_space<hbm>> -> memref<1000000x16xf32, #tpu.memory_space<hbm>>
    tpu.enqueue_indirect_dma source(%dma_start3A_51 : memref<1000000x16xf32, #tpu.memory_space<hbm>>) target(%arg7 : memref<3200x16xf32, #tpu.memory_space<vmem>>) offsets(%arg5 : memref<3200xi32, #tpu.memory_space<vmem>>) semaphore(%arg11 : memref<!tpu.dma_semaphore, #tpu.memory_space<semaphore_mem>>)
    %add3A_52 = arith.constant 3200 : i32
    %add3A_53 = arith.addi %mul3A_2, %add3A_52 : i32
    %dma_wait3A_54 = arith.constant 0 : i32
    %dma_wait3A_55 = tpu.memref_slice %arg4[%add3A_53, %dma_wait3A_54] : memref<3276800x16xf32, #tpu.memory_space<hbm>> -> memref<3200x16xf32, #tpu.memory_space<hbm>>
    %dma_wait3A_56 = arith.constant 0 : i32
    %dma_wait3A_57 = tpu.memref_slice %arg4[%add3A_53, %dma_wait3A_56] : memref<3276800x16xf32, #tpu.memory_space<hbm>> -> memref<3200x16xf32, #tpu.memory_space<hbm>>
    tpu.wait_dma2 semaphore(%arg12 : memref<!tpu.dma_semaphore, #tpu.memory_space<semaphore_mem>>) src(%dma_wait3A_57 : memref<3200x16xf32, #tpu.memory_space<hbm>>) dst(%arg8 : memref<3200x16xf32, #tpu.memory_space<vmem>>)
    %add3A_58 = arith.constant 3200 : i32
    %add3A_59 = arith.addi %mul3A_2, %add3A_58 : i32
    %dma_start3A_60 = arith.constant 0 : i32
    %dma_start3A_61 = tpu.memref_slice %arg4[%add3A_59, %dma_start3A_60] : memref<3276800x16xf32, #tpu.memory_space<hbm>> -> memref<3200x16xf32, #tpu.memory_space<hbm>>
    %dma_start3A_62 = arith.constant 0 : i32
    %dma_start3A_63 = tpu.memref_slice %arg4[%add3A_59, %dma_start3A_62] : memref<3276800x16xf32, #tpu.memory_space<hbm>> -> memref<3200x16xf32, #tpu.memory_space<hbm>>
    tpu.enqueue_dma source(%arg8 : memref<3200x16xf32, #tpu.memory_space<vmem>>) target(%dma_start3A_63 : memref<3200x16xf32, #tpu.memory_space<hbm>>) target_semaphore(%arg14 : memref<!tpu.dma_semaphore, #tpu.memory_space<semaphore_mem>>)
    %add3A_64 = arith.constant 9600 : i32
    %add3A_65 = arith.addi %mul3A_2, %add3A_64 : i32
    %dma_start3A_66 = tpu.memref_slice %arg3[%add3A_65] : memref<3276800xi32, #tpu.memory_space<hbm>> -> memref<3200xi32, #tpu.memory_space<hbm>>
    %dma_start3A_67 = tpu.memref_slice %arg3[%add3A_65] : memref<3276800xi32, #tpu.memory_space<hbm>> -> memref<3200xi32, #tpu.memory_space<hbm>>
    tpu.enqueue_dma source(%dma_start3A_67 : memref<3200xi32, #tpu.memory_space<hbm>>) target(%arg6 : memref<3200xi32, #tpu.memory_space<vmem>>) target_semaphore(%arg10 : memref<!tpu.dma_semaphore, #tpu.memory_space<semaphore_mem>>)
    %scan3A = arith.constant 0 : i32
    %scan3A_68 = arith.constant 0 : i32
    %scan3A_69 = arith.constant 14 : i32
    %scan3A_70 = arith.addi %scan3A_68, %scan3A_69 : i32
    %scan3A_71 = arith.constant 1 : i32
    scf.for %scan3A_122 = %scan3A_68 to %scan3A_70 step %scan3A_71  : i32 {
      %mul3A_123 = arith.constant 2 : i32
      %mul3A_124 = arith.muli %mul3A_123, %scan3A_122 : i32
      %add3A_125 = arith.constant 3 : i32
      %add3A_126 = arith.addi %add3A_125, %mul3A_124 : i32
      %mul3A_127 = arith.constant 3200 : i32
      %mul3A_128 = arith.muli %add3A_126, %mul3A_127 : i32
      %add3A_129 = arith.addi %mul3A_2, %mul3A_128 : i32
      %dma_wait3A_130 = tpu.memref_slice %arg3[%add3A_129] : memref<3276800xi32, #tpu.memory_space<hbm>> -> memref<3200xi32, #tpu.memory_space<hbm>>
      %dma_wait3A_131 = tpu.memref_slice %arg3[%add3A_129] : memref<3276800xi32, #tpu.memory_space<hbm>> -> memref<3200xi32, #tpu.memory_space<hbm>>
      tpu.wait_dma2 semaphore(%arg10 : memref<!tpu.dma_semaphore, #tpu.memory_space<semaphore_mem>>) src(%dma_wait3A_131 : memref<3200xi32, #tpu.memory_space<hbm>>) dst(%arg6 : memref<3200xi32, #tpu.memory_space<vmem>>)
      %sub3A = arith.constant 2 : i32
      %sub3A_132 = arith.subi %add3A_126, %sub3A : i32
      %mul3A_133 = arith.constant 3200 : i32
      %mul3A_134 = arith.muli %sub3A_132, %mul3A_133 : i32
      %add3A_135 = arith.addi %mul3A_2, %mul3A_134 : i32
      %dma_wait3A_136 = arith.constant 0 : i32
      %dma_wait3A_137 = tpu.memref_slice %arg4[%add3A_135, %dma_wait3A_136] : memref<3276800x16xf32, #tpu.memory_space<hbm>> -> memref<3200x16xf32, #tpu.memory_space<hbm>>
      %dma_wait3A_138 = arith.constant 0 : i32
      %dma_wait3A_139 = tpu.memref_slice %arg4[%add3A_135, %dma_wait3A_138] : memref<3276800x16xf32, #tpu.memory_space<hbm>> -> memref<3200x16xf32, #tpu.memory_space<hbm>>
      tpu.wait_dma2 semaphore(%arg14 : memref<!tpu.dma_semaphore, #tpu.memory_space<semaphore_mem>>) src(%arg8 : memref<3200x16xf32, #tpu.memory_space<vmem>>) dst(%dma_wait3A_139 : memref<3200x16xf32, #tpu.memory_space<hbm>>)
      %dma_start3A_140 = arith.constant 0 : i32
      %dma_start3A_141 = arith.constant 0 : i32
      %dma_start3A_142 = tpu.memref_slice %arg2[%dma_start3A_140, %dma_start3A_141] : memref<1000000x16xf32, #tpu.memory_space<hbm>> -> memref<1000000x16xf32, #tpu.memory_space<hbm>>
      tpu.enqueue_indirect_dma source(%dma_start3A_142 : memref<1000000x16xf32, #tpu.memory_space<hbm>>) target(%arg8 : memref<3200x16xf32, #tpu.memory_space<vmem>>) offsets(%arg6 : memref<3200xi32, #tpu.memory_space<vmem>>) semaphore(%arg12 : memref<!tpu.dma_semaphore, #tpu.memory_space<semaphore_mem>>)
      %sub3A_143 = arith.constant 1 : i32
      %sub3A_144 = arith.subi %add3A_126, %sub3A_143 : i32
      %mul3A_145 = arith.constant 3200 : i32
      %mul3A_146 = arith.muli %sub3A_144, %mul3A_145 : i32
      %add3A_147 = arith.addi %mul3A_2, %mul3A_146 : i32
      %dma_wait3A_148 = arith.constant 0 : i32
      %dma_wait3A_149 = tpu.memref_slice %arg4[%add3A_147, %dma_wait3A_148] : memref<3276800x16xf32, #tpu.memory_space<hbm>> -> memref<3200x16xf32, #tpu.memory_space<hbm>>
      %dma_wait3A_150 = arith.constant 0 : i32
      %dma_wait3A_151 = tpu.memref_slice %arg4[%add3A_147, %dma_wait3A_150] : memref<3276800x16xf32, #tpu.memory_space<hbm>> -> memref<3200x16xf32, #tpu.memory_space<hbm>>
      tpu.wait_dma2 semaphore(%arg11 : memref<!tpu.dma_semaphore, #tpu.memory_space<semaphore_mem>>) src(%dma_wait3A_151 : memref<3200x16xf32, #tpu.memory_space<hbm>>) dst(%arg7 : memref<3200x16xf32, #tpu.memory_space<vmem>>)
      %sub3A_152 = arith.constant 1 : i32
      %sub3A_153 = arith.subi %add3A_126, %sub3A_152 : i32
      %mul3A_154 = arith.constant 3200 : i32
      %mul3A_155 = arith.muli %sub3A_153, %mul3A_154 : i32
      %add3A_156 = arith.addi %mul3A_2, %mul3A_155 : i32
      %dma_start3A_157 = arith.constant 0 : i32
      %dma_start3A_158 = tpu.memref_slice %arg4[%add3A_156, %dma_start3A_157] : memref<3276800x16xf32, #tpu.memory_space<hbm>> -> memref<3200x16xf32, #tpu.memory_space<hbm>>
      %dma_start3A_159 = arith.constant 0 : i32
      %dma_start3A_160 = tpu.memref_slice %arg4[%add3A_156, %dma_start3A_159] : memref<3276800x16xf32, #tpu.memory_space<hbm>> -> memref<3200x16xf32, #tpu.memory_space<hbm>>
      tpu.enqueue_dma source(%arg7 : memref<3200x16xf32, #tpu.memory_space<vmem>>) target(%dma_start3A_160 : memref<3200x16xf32, #tpu.memory_space<hbm>>) target_semaphore(%arg13 : memref<!tpu.dma_semaphore, #tpu.memory_space<semaphore_mem>>)
      %add3A_161 = arith.constant 1 : i32
      %add3A_162 = arith.addi %add3A_126, %add3A_161 : i32
      %mul3A_163 = arith.constant 3200 : i32
      %mul3A_164 = arith.muli %add3A_162, %mul3A_163 : i32
      %add3A_165 = arith.addi %mul3A_2, %mul3A_164 : i32
      %dma_start3A_166 = tpu.memref_slice %arg3[%add3A_165] : memref<3276800xi32, #tpu.memory_space<hbm>> -> memref<3200xi32, #tpu.memory_space<hbm>>
      %dma_start3A_167 = tpu.memref_slice %arg3[%add3A_165] : memref<3276800xi32, #tpu.memory_space<hbm>> -> memref<3200xi32, #tpu.memory_space<hbm>>
      tpu.enqueue_dma source(%dma_start3A_167 : memref<3200xi32, #tpu.memory_space<hbm>>) target(%arg5 : memref<3200xi32, #tpu.memory_space<vmem>>) target_semaphore(%arg9 : memref<!tpu.dma_semaphore, #tpu.memory_space<semaphore_mem>>)
      %add3A_168 = arith.constant 1 : i32
      %add3A_169 = arith.addi %add3A_126, %add3A_168 : i32
      %mul3A_170 = arith.constant 3200 : i32
      %mul3A_171 = arith.muli %add3A_169, %mul3A_170 : i32
      %add3A_172 = arith.addi %mul3A_2, %mul3A_171 : i32
      %dma_wait3A_173 = tpu.memref_slice %arg3[%add3A_172] : memref<3276800xi32, #tpu.memory_space<hbm>> -> memref<3200xi32, #tpu.memory_space<hbm>>
      %dma_wait3A_174 = tpu.memref_slice %arg3[%add3A_172] : memref<3276800xi32, #tpu.memory_space<hbm>> -> memref<3200xi32, #tpu.memory_space<hbm>>
      tpu.wait_dma2 semaphore(%arg9 : memref<!tpu.dma_semaphore, #tpu.memory_space<semaphore_mem>>) src(%dma_wait3A_174 : memref<3200xi32, #tpu.memory_space<hbm>>) dst(%arg5 : memref<3200xi32, #tpu.memory_space<vmem>>)
      %sub3A_175 = arith.constant 2 : i32
      %sub3A_176 = arith.subi %add3A_169, %sub3A_175 : i32
      %mul3A_177 = arith.constant 3200 : i32
      %mul3A_178 = arith.muli %sub3A_176, %mul3A_177 : i32
      %add3A_179 = arith.addi %mul3A_2, %mul3A_178 : i32
      %dma_wait3A_180 = arith.constant 0 : i32
      %dma_wait3A_181 = tpu.memref_slice %arg4[%add3A_179, %dma_wait3A_180] : memref<3276800x16xf32, #tpu.memory_space<hbm>> -> memref<3200x16xf32, #tpu.memory_space<hbm>>
      %dma_wait3A_182 = arith.constant 0 : i32
      %dma_wait3A_183 = tpu.memref_slice %arg4[%add3A_179, %dma_wait3A_182] : memref<3276800x16xf32, #tpu.memory_space<hbm>> -> memref<3200x16xf32, #tpu.memory_space<hbm>>
      tpu.wait_dma2 semaphore(%arg13 : memref<!tpu.dma_semaphore, #tpu.memory_space<semaphore_mem>>) src(%arg7 : memref<3200x16xf32, #tpu.memory_space<vmem>>) dst(%dma_wait3A_183 : memref<3200x16xf32, #tpu.memory_space<hbm>>)
      %dma_start3A_184 = arith.constant 0 : i32
      %dma_start3A_185 = arith.constant 0 : i32
      %dma_start3A_186 = tpu.memref_slice %arg2[%dma_start3A_184, %dma_start3A_185] : memref<1000000x16xf32, #tpu.memory_space<hbm>> -> memref<1000000x16xf32, #tpu.memory_space<hbm>>
      tpu.enqueue_indirect_dma source(%dma_start3A_186 : memref<1000000x16xf32, #tpu.memory_space<hbm>>) target(%arg7 : memref<3200x16xf32, #tpu.memory_space<vmem>>) offsets(%arg5 : memref<3200xi32, #tpu.memory_space<vmem>>) semaphore(%arg11 : memref<!tpu.dma_semaphore, #tpu.memory_space<semaphore_mem>>)
      %sub3A_187 = arith.constant 1 : i32
      %sub3A_188 = arith.subi %add3A_169, %sub3A_187 : i32
      %mul3A_189 = arith.constant 3200 : i32
      %mul3A_190 = arith.muli %sub3A_188, %mul3A_189 : i32
      %add3A_191 = arith.addi %mul3A_2, %mul3A_190 : i32
      %dma_wait3A_192 = arith.constant 0 : i32
      %dma_wait3A_193 = tpu.memref_slice %arg4[%add3A_191, %dma_wait3A_192] : memref<3276800x16xf32, #tpu.memory_space<hbm>> -> memref<3200x16xf32, #tpu.memory_space<hbm>>
      %dma_wait3A_194 = arith.constant 0 : i32
      %dma_wait3A_195 = tpu.memref_slice %arg4[%add3A_191, %dma_wait3A_194] : memref<3276800x16xf32, #tpu.memory_space<hbm>> -> memref<3200x16xf32, #tpu.memory_space<hbm>>
      tpu.wait_dma2 semaphore(%arg12 : memref<!tpu.dma_semaphore, #tpu.memory_space<semaphore_mem>>) src(%dma_wait3A_195 : memref<3200x16xf32, #tpu.memory_space<hbm>>) dst(%arg8 : memref<3200x16xf32, #tpu.memory_space<vmem>>)
      %sub3A_196 = arith.constant 1 : i32
      %sub3A_197 = arith.subi %add3A_169, %sub3A_196 : i32
      %mul3A_198 = arith.constant 3200 : i32
      %mul3A_199 = arith.muli %sub3A_197, %mul3A_198 : i32
      %add3A_200 = arith.addi %mul3A_2, %mul3A_199 : i32
      %dma_start3A_201 = arith.constant 0 : i32
      %dma_start3A_202 = tpu.memref_slice %arg4[%add3A_200, %dma_start3A_201] : memref<3276800x16xf32, #tpu.memory_space<hbm>> -> memref<3200x16xf32, #tpu.memory_space<hbm>>
      %dma_start3A_203 = arith.constant 0 : i32
      %dma_start3A_204 = tpu.memref_slice %arg4[%add3A_200, %dma_start3A_203] : memref<3276800x16xf32, #tpu.memory_space<hbm>> -> memref<3200x16xf32, #tpu.memory_space<hbm>>
      tpu.enqueue_dma source(%arg8 : memref<3200x16xf32, #tpu.memory_space<vmem>>) target(%dma_start3A_204 : memref<3200x16xf32, #tpu.memory_space<hbm>>) target_semaphore(%arg14 : memref<!tpu.dma_semaphore, #tpu.memory_space<semaphore_mem>>)
      %add3A_205 = arith.constant 1 : i32
      %add3A_206 = arith.addi %add3A_169, %add3A_205 : i32
      %mul3A_207 = arith.constant 3200 : i32
      %mul3A_208 = arith.muli %add3A_206, %mul3A_207 : i32
      %add3A_209 = arith.addi %mul3A_2, %mul3A_208 : i32
      %dma_start3A_210 = tpu.memref_slice %arg3[%add3A_209] : memref<3276800xi32, #tpu.memory_space<hbm>> -> memref<3200xi32, #tpu.memory_space<hbm>>
      %dma_start3A_211 = tpu.memref_slice %arg3[%add3A_209] : memref<3276800xi32, #tpu.memory_space<hbm>> -> memref<3200xi32, #tpu.memory_space<hbm>>
      tpu.enqueue_dma source(%dma_start3A_211 : memref<3200xi32, #tpu.memory_space<hbm>>) target(%arg6 : memref<3200xi32, #tpu.memory_space<vmem>>) target_semaphore(%arg10 : memref<!tpu.dma_semaphore, #tpu.memory_space<semaphore_mem>>)
    }
    %scan3A_72 = arith.constant 14 : i32
    %add3A_73 = arith.constant 99200 : i32
    %add3A_74 = arith.addi %mul3A_2, %add3A_73 : i32
    %dma_wait3A_75 = tpu.memref_slice %arg3[%add3A_74] : memref<3276800xi32, #tpu.memory_space<hbm>> -> memref<3200xi32, #tpu.memory_space<hbm>>
    %dma_wait3A_76 = tpu.memref_slice %arg3[%add3A_74] : memref<3276800xi32, #tpu.memory_space<hbm>> -> memref<3200xi32, #tpu.memory_space<hbm>>
    tpu.wait_dma2 semaphore(%arg10 : memref<!tpu.dma_semaphore, #tpu.memory_space<semaphore_mem>>) src(%dma_wait3A_76 : memref<3200xi32, #tpu.memory_space<hbm>>) dst(%arg6 : memref<3200xi32, #tpu.memory_space<vmem>>)
    %add3A_77 = arith.constant 92800 : i32
    %add3A_78 = arith.addi %mul3A_2, %add3A_77 : i32
    %dma_wait3A_79 = arith.constant 0 : i32
    %dma_wait3A_80 = tpu.memref_slice %arg4[%add3A_78, %dma_wait3A_79] : memref<3276800x16xf32, #tpu.memory_space<hbm>> -> memref<3200x16xf32, #tpu.memory_space<hbm>>
    %dma_wait3A_81 = arith.constant 0 : i32
    %dma_wait3A_82 = tpu.memref_slice %arg4[%add3A_78, %dma_wait3A_81] : memref<3276800x16xf32, #tpu.memory_space<hbm>> -> memref<3200x16xf32, #tpu.memory_space<hbm>>
    tpu.wait_dma2 semaphore(%arg14 : memref<!tpu.dma_semaphore, #tpu.memory_space<semaphore_mem>>) src(%arg8 : memref<3200x16xf32, #tpu.memory_space<vmem>>) dst(%dma_wait3A_82 : memref<3200x16xf32, #tpu.memory_space<hbm>>)
    %dma_start3A_83 = arith.constant 0 : i32
    %dma_start3A_84 = arith.constant 0 : i32
    %dma_start3A_85 = tpu.memref_slice %arg2[%dma_start3A_83, %dma_start3A_84] : memref<1000000x16xf32, #tpu.memory_space<hbm>> -> memref<1000000x16xf32, #tpu.memory_space<hbm>>
    tpu.enqueue_indirect_dma source(%dma_start3A_85 : memref<1000000x16xf32, #tpu.memory_space<hbm>>) target(%arg8 : memref<3200x16xf32, #tpu.memory_space<vmem>>) offsets(%arg6 : memref<3200xi32, #tpu.memory_space<vmem>>) semaphore(%arg12 : memref<!tpu.dma_semaphore, #tpu.memory_space<semaphore_mem>>)
    %add3A_86 = arith.constant 96000 : i32
    %add3A_87 = arith.addi %mul3A_2, %add3A_86 : i32
    %dma_wait3A_88 = arith.constant 0 : i32
    %dma_wait3A_89 = tpu.memref_slice %arg4[%add3A_87, %dma_wait3A_88] : memref<3276800x16xf32, #tpu.memory_space<hbm>> -> memref<3200x16xf32, #tpu.memory_space<hbm>>
    %dma_wait3A_90 = arith.constant 0 : i32
    %dma_wait3A_91 = tpu.memref_slice %arg4[%add3A_87, %dma_wait3A_90] : memref<3276800x16xf32, #tpu.memory_space<hbm>> -> memref<3200x16xf32, #tpu.memory_space<hbm>>
    tpu.wait_dma2 semaphore(%arg11 : memref<!tpu.dma_semaphore, #tpu.memory_space<semaphore_mem>>) src(%dma_wait3A_91 : memref<3200x16xf32, #tpu.memory_space<hbm>>) dst(%arg7 : memref<3200x16xf32, #tpu.memory_space<vmem>>)
    %add3A_92 = arith.constant 96000 : i32
    %add3A_93 = arith.addi %mul3A_2, %add3A_92 : i32
    %dma_start3A_94 = arith.constant 0 : i32
    %dma_start3A_95 = tpu.memref_slice %arg4[%add3A_93, %dma_start3A_94] : memref<3276800x16xf32, #tpu.memory_space<hbm>> -> memref<3200x16xf32, #tpu.memory_space<hbm>>
    %dma_start3A_96 = arith.constant 0 : i32
    %dma_start3A_97 = tpu.memref_slice %arg4[%add3A_93, %dma_start3A_96] : memref<3276800x16xf32, #tpu.memory_space<hbm>> -> memref<3200x16xf32, #tpu.memory_space<hbm>>
    tpu.enqueue_dma source(%arg7 : memref<3200x16xf32, #tpu.memory_space<vmem>>) target(%dma_start3A_97 : memref<3200x16xf32, #tpu.memory_space<hbm>>) target_semaphore(%arg13 : memref<!tpu.dma_semaphore, #tpu.memory_space<semaphore_mem>>)
    %add3A_98 = arith.constant 99200 : i32
    %add3A_99 = arith.addi %mul3A_2, %add3A_98 : i32
    %dma_wait3A_100 = arith.constant 0 : i32
    %dma_wait3A_101 = tpu.memref_slice %arg4[%add3A_99, %dma_wait3A_100] : memref<3276800x16xf32, #tpu.memory_space<hbm>> -> memref<3200x16xf32, #tpu.memory_space<hbm>>
    %dma_wait3A_102 = arith.constant 0 : i32
    %dma_wait3A_103 = tpu.memref_slice %arg4[%add3A_99, %dma_wait3A_102] : memref<3276800x16xf32, #tpu.memory_space<hbm>> -> memref<3200x16xf32, #tpu.memory_space<hbm>>
    tpu.wait_dma2 semaphore(%arg12 : memref<!tpu.dma_semaphore, #tpu.memory_space<semaphore_mem>>) src(%dma_wait3A_103 : memref<3200x16xf32, #tpu.memory_space<hbm>>) dst(%arg8 : memref<3200x16xf32, #tpu.memory_space<vmem>>)
    %add3A_104 = arith.constant 99200 : i32
    %add3A_105 = arith.addi %mul3A_2, %add3A_104 : i32
    %dma_start3A_106 = arith.constant 0 : i32
    %dma_start3A_107 = tpu.memref_slice %arg4[%add3A_105, %dma_start3A_106] : memref<3276800x16xf32, #tpu.memory_space<hbm>> -> memref<3200x16xf32, #tpu.memory_space<hbm>>
    %dma_start3A_108 = arith.constant 0 : i32
    %dma_start3A_109 = tpu.memref_slice %arg4[%add3A_105, %dma_start3A_108] : memref<3276800x16xf32, #tpu.memory_space<hbm>> -> memref<3200x16xf32, #tpu.memory_space<hbm>>
    tpu.enqueue_dma source(%arg8 : memref<3200x16xf32, #tpu.memory_space<vmem>>) target(%dma_start3A_109 : memref<3200x16xf32, #tpu.memory_space<hbm>>) target_semaphore(%arg14 : memref<!tpu.dma_semaphore, #tpu.memory_space<semaphore_mem>>)
    %add3A_110 = arith.constant 96000 : i32
    %add3A_111 = arith.addi %mul3A_2, %add3A_110 : i32
    %dma_wait3A_112 = arith.constant 0 : i32
    %dma_wait3A_113 = tpu.memref_slice %arg4[%add3A_111, %dma_wait3A_112] : memref<3276800x16xf32, #tpu.memory_space<hbm>> -> memref<3200x16xf32, #tpu.memory_space<hbm>>
    %dma_wait3A_114 = arith.constant 0 : i32
    %dma_wait3A_115 = tpu.memref_slice %arg4[%add3A_111, %dma_wait3A_114] : memref<3276800x16xf32, #tpu.memory_space<hbm>> -> memref<3200x16xf32, #tpu.memory_space<hbm>>
    tpu.wait_dma2 semaphore(%arg13 : memref<!tpu.dma_semaphore, #tpu.memory_space<semaphore_mem>>) src(%arg7 : memref<3200x16xf32, #tpu.memory_space<vmem>>) dst(%dma_wait3A_115 : memref<3200x16xf32, #tpu.memory_space<hbm>>)
    %add3A_116 = arith.constant 99200 : i32
    %add3A_117 = arith.addi %mul3A_2, %add3A_116 : i32
    %dma_wait3A_118 = arith.constant 0 : i32
    %dma_wait3A_119 = tpu.memref_slice %arg4[%add3A_117, %dma_wait3A_118] : memref<3276800x16xf32, #tpu.memory_space<hbm>> -> memref<3200x16xf32, #tpu.memory_space<hbm>>
    %dma_wait3A_120 = arith.constant 0 : i32
    %dma_wait3A_121 = tpu.memref_slice %arg4[%add3A_117, %dma_wait3A_120] : memref<3276800x16xf32, #tpu.memory_space<hbm>> -> memref<3200x16xf32, #tpu.memory_space<hbm>>
    tpu.wait_dma2 semaphore(%arg14 : memref<!tpu.dma_semaphore, #tpu.memory_space<semaphore_mem>>) src(%arg8 : memref<3200x16xf32, #tpu.memory_space<vmem>>) dst(%dma_wait3A_121 : memref<3200x16xf32, #tpu.memory_space<hbm>>)
    return
  }
}

</mosaic_0001>

<sc_bundles>
// kernel: kernel.3.cloned.1.call-start
scs
__scs_entry_jumppad:
0x0: {  	(pc) =	sbr.rel $0x88, $3  }
0x1: {  	(tag) =	ssettag $0x0;
	lr =	simm.s32 $0x1  }
0x2: {  	[smem:$0x3F9F] =	sst lr;
	_ =	strace $0xD0000000  }
0x3: {  	_ = 	snop  }
0x4: {  	_ = 	snop  }
0x5: {  	_ = 	snop  }
0x6: {  	_ = 	snop  }
0x7: {  	_ = 	snop  }
__scs_overlays_trampoline_lowered:
0x8: {  	[smem:$0x3FAE] =	sst s0  }
0x9: {  	[smem:$0x3FAF] =	sst s1  }
0xa: {  	[smem:$0x3FB0] =	sst s2  }
0xb: {  	[smem:$0x3FB1] =	sst s3  }
0xc: {  	[smem:$0x3FB2] =	sst s4  }
0xd: {  	[smem:$0x3FB3] =	sst s5  }
0xe: {  	[smem:$0x3FB4] =	sst s6  }
0xf: {  	[smem:$0x3FB5] =	sst s7  }
0x10: {  	[smem:$0x3FB6] =	sst s8  }
0x11: {  	[smem:$0x3FB7] =	sst s9;
	s0 =	simm.s32 @!p0 $0x0  }
0x12: {  	s1 =	sld [smem:$0x3F9D];
	s0 =	simm.s32 @p0 $0x1  }
0x13: {  	[smem:$0x3FB8] =	sst s0;
	s0 =	simm.s32 @!p1 $0x0  }
0x14: {  	s2 =	sld [smem:$0x3F9C];
	s0 =	simm.s32 @p1 $0x1  }
0x15: {  	[smem:$0x3FB9] =	sst s0;
	s0 =	simm.s32 @!p2 $0x0  }
0x16: {  	s3 =	sld [smem:$0x3FDB];
	s0 =	simm.s32 @p2 $0x1  }
0x17: {  	s4 =	simm.s32 $0x1BF5;
	[smem:$0x3FBB] =	sst s0  }
0x18: {  	s0 =	sld [smem:$0x3F9E];
	_ =	swait.ge [sflag:s4], $0x0  }
0x19: {  	s7 =	sld [smem:$0x3F9F]  }
0x1a: {  	s8 =	sadd.s32 $0xFFFFE003, lr  }
0x1b: {  	s9 =	sadd.s32 $0xFFFFFEF7, lr;
	s5 =	simm.s32 $0xFFFFFFFF;
	p2 =	slt.u32 s8, $0xFFFFF086  }
0x1c: {  	p1 =	slt.u32 s9, $0xF7A;
	s5 =	simm.s32 @!p2 $0x0  }
0x1d: {  	s5 =	simm.s32 @p1 $0x1;
	p0 =	seq.s32 s7, s2  }
0x1e: {  	s7 =	smul.u32 @!p0 $0xF7A, s2;
	p2 =	seq.s32 @!p0 s5, $0x0  }
0x1f: {  	s9 =	smul.u32 $0xF7A, s1;
	s8 =	simm.s32 @!p0 $0x1BF5;
	p2 =	por !p2, p0  }
0x20: {  	[sflag:s8] =	ssyncset.s32 @!p0 $0xFFFFF086;
	s6 =	sadd.s32 @!p0 s3, s7;
	s7 =	simm.s32 @!p0 $0x108  }
0x21: {  	s3 =	sadd.s32 s3, s9;
	s6 =	sadd.s32 @!p0 $0x88, s6;
	s7 =	simm.s32 @p2 $0x1082  }
0x22: {  	[simem:s7], [sflag:s8] =	dma.local @!p0 [hbm:s6], $0xF7A  }
0x23: {  	s9 =	sor.u32 $0xD0000000, s2;
	s6 =	simm.s32 $0x108;
	_ =	swait.ge @!p0 [sflag:s8], $0x0  }
0x24: {  	s3 =	sadd.s32 $0x88, s3;
	s6 =	simm.s32 @!p1 $0x1082;
	[sflag:s4] =	ssyncset.s32 $0xFFFFF086  }
0x25: {  	[simem:s6], [sflag:s4] =	dma.local [hbm:s3], $0xF7A  }
0x26: {  	[smem:$0x3F9F] =	sst s1;
	(tag) =	ssettag s2;
	_ =	strace s9  }
0x27: {  	s1 =	sld [smem:$0x3FAF]  }
0x28: {  	s2 =	sld [smem:$0x3FB0]  }
0x29: {  	s4 =	sld [smem:$0x3FB2]  }
0x2a: {  	p0 =	seq.s32 s5, $0x0;
	s5 =	sld [smem:$0x3FB3]  }
0x2b: {  	s6 =	sld [smem:$0x3FB4]  }
0x2c: {  	s7 =	sld [smem:$0x3FB5]  }
0x2d: {  	s3 =	simm.s32 $0x108;
	s8 =	sld [smem:$0x3FB6]  }
0x2e: {  	s3 =	simm.s32 @!p0 $0x1082;
	s9 =	sld [smem:$0x3FB7]  }
0x2f: {  	lr =	sadd.s32 s0, s3;
	s0 =	sld [smem:$0x3FAE]  }
0x30: {  	s3 =	sld [smem:$0x3FB1]  }
0x31: {  	[smem:$0x3FBA] =	sst s10  }
0x32: {  	s10 =	sld [smem:$0x3FB8];
	_ =	sdelay $0x3  }
0x33: {  	p0 =	seq.s32 s10, $0x1;
	s10 =	sld [smem:$0x3FBA];
	_ =	sdelay $0x3  }
0x34: {  	[smem:$0x3FBA] =	sst s10  }
0x35: {  	s10 =	sld [smem:$0x3FB9];
	_ =	sdelay $0x3  }
0x36: {  	p1 =	seq.s32 s10, $0x1;
	s10 =	sld [smem:$0x3FBA];
	_ =	sdelay $0x3  }
0x37: {  	[smem:$0x3FBA] =	sst s10  }
0x38: {  	s10 =	sld [smem:$0x3FBB]  }
0x39: {  	_ = 	snop;
	(pc) =	sbr.ind lr, $3  }
0x3a: {  	_ = 	snop  }
0x3b: {  	_ = 	snop  }
0x3c: {  	p2 =	seq.s32 s10, $0x1;
	s10 =	sld [smem:$0x3FBA]  }
0x3d: {  	_ =	shalt  }
0x3e: {  	_ =	shalt  }
0x3f: {  	_ =	shalt  }
0x40: {  	_ =	shalt  }
0x41: {  	_ =	shalt  }
0x42: {  	_ =	shalt  }
0x43: {  	_ =	shalt  }
0x44: {  	_ =	shalt  }
0x45: {  	_ =	shalt  }
0x46: {  	_ =	shalt  }
0x47: {  	_ =	shalt  }
0x48: {  	_ =	shalt  }
0x49: {  	_ =	shalt  }
0x4a: {  	_ =	shalt  }
0x4b: {  	_ =	shalt  }
0x4c: {  	_ =	shalt  }
0x4d: {  	_ =	shalt  }
0x4e: {  	_ =	shalt  }
0x4f: {  	_ =	shalt  }
0x50: {  	_ =	shalt  }
0x51: {  	_ =	shalt  }
0x52: {  	_ =	shalt  }
0x53: {  	_ =	shalt  }
0x54: {  	_ =	shalt  }
0x55: {  	_ =	shalt  }
0x56: {  	_ =	shalt  }
0x57: {  	_ =	shalt  }
0x58: {  	_ =	shalt  }
0x59: {  	_ =	shalt  }
0x5a: {  	_ =	shalt  }
0x5b: {  	_ =	shalt  }
0x5c: {  	_ =	shalt  }
0x5d: {  	_ =	shalt  }
0x5e: {  	_ =	shalt  }
0x5f: {  	_ =	shalt  }
0x60: {  	_ =	shalt  }
0x61: {  	_ =	shalt  }
0x62: {  	_ =	shalt  }
0x63: {  	_ =	shalt  }
0x64: {  	_ =	shalt  }
0x65: {  	_ =	shalt  }
0x66: {  	_ =	shalt  }
0x67: {  	_ =	shalt  }
0x68: {  	_ =	shalt  }
0x69: {  	_ =	shalt  }
0x6a: {  	_ =	shalt  }
0x6b: {  	_ =	shalt  }
0x6c: {  	_ =	shalt  }
0x6d: {  	_ =	shalt  }
0x6e: {  	_ =	shalt  }
0x6f: {  	_ =	shalt  }
0x70: {  	_ =	shalt  }
0x71: {  	_ =	shalt  }
0x72: {  	_ =	shalt  }
0x73: {  	_ =	shalt  }
0x74: {  	_ =	shalt  }
0x75: {  	_ =	shalt  }
0x76: {  	_ =	shalt  }
0x77: {  	_ =	shalt  }
0x78: {  	_ =	shalt  }
0x79: {  	_ =	shalt  }
0x7a: {  	_ =	shalt  }
0x7b: {  	_ =	shalt  }
0x7c: {  	_ =	shalt  }
0x7d: {  	_ =	shalt  }
0x7e: {  	_ =	shalt  }
0x7f: {  	_ =	shalt  }
0x80: {  	_ =	shalt  }
0x81: {  	_ =	shalt  }
0x82: {  	_ =	shalt  }
0x83: {  	_ =	shalt  }
0x84: {  	_ =	shalt  }
0x85: {  	_ =	shalt  }
0x86: {  	_ =	shalt  }
0x87: {  	_ =	shalt  }
.Lfunc_end0:
.L_simem_size_0:
called_computation.1_lowered:
.L_overlay_start_0:
0x88: {  	s2 =	sld [smem:$0x3FD9]  }
0x89: {  	s3 =	sld [smem:$0x3FFE];
	_ =	sdelay $0x1  }
0x8a: {  	s1 =	srdreg.scid  }
0x8b: {  	s0 =	sand.u32 $0x1, s1  }
0x8c: {  	s17 =	sshll.u32 s0, $0xA;
	s2 =	sadd.s32 s3, s2  }
0x8d: {  	s2 =	sadd.s32 s2, s17  }
0x8e: {  	[smem:$0x3FC6] =	sst s2  }
0x8f: {  	_ = 	snop  }
0x90: {  	s2 =	sld [smem:$0x3FD0];
	(tm) =	ssettm $0x1  }
0x91: {  	s18 =	sld [smem:$0x3FFB];
	_ =	sdelay $0x3  }
0x92: {  	_ =	strace s18  }
0x93: {  	s3 =	sld [smem:$0x3FFC];
	_ =	sdelay $0x3  }
0x94: {  	_ =	strace s3  }
0x95: {  	s3 =	sld [smem:$0x3FFD];
	_ =	sdelay $0x3  }
0x96: {  	_ =	strace s3  }
0x97: {  	_ =	strace $0x8FFFFFFF  }
0x98: {  	s19 =	sld [smem:$0x3FDB];
	_ =	sdelay $0x1  }
0x99: {  	s4 =	simm.s32 $_scs_section_size  }
0x9a: {  	s5 =	simm.s32 $_size__tile_overlayer_lowered;
	s6 =	simm.s32 $_tile_overlayer_lowered  }
0x9b: {  	s22 =	simm.s32 $0x1BFF;
	s21 =	sshll.u32 s6, $0x1;
	s3 =	sadd.s32 s4, s19  }
0x9c: {  	s7 =	simm.s32 $0x0;
	s20 =	sshll.u32 s5, $0x1;
	s5 =	sadd.s32 s21, s3  }
0x9d: {  	[timem:s7], [sflag:s22] =	dma.local [hbm:s5], s20  }
0x9e: {  	_ =	swait.ge [sflag:s22], s20  }
0x9f: {  	s4 =	ssub.s32 $0x0, s20;
	[sflag:s22] =	ssyncset.done $0x0  }
0xa0: {  	[sflag:s22] =	ssyncadd.s32 s4;
	_ =	sdelay $0x1  }
0xa1: {  	s23 =	simm.s32 $0x1B8B  }
0xa2: {  	_ =	swait.ge [sflag:s23], $0x1  }
0xa3: {  	[sflag:s23] =	ssyncset.done $0x0  }
0xa4: {  	s25 =	simm.s32 $0x1B8E;
	s24 =	sld [smem:$0x3FFE];
	[sflag:s23] =	ssyncadd.s32 $0xFFFFFFFF  }
0xa5: {  	s26 =	simm.s32 $execute0_lowered;
	[smem:$0x3FD2] =	sst s25  }
0xa6: {  	s5 =	sshll.u32 s26, $0x1;
	_ =	strace $0x80000046;
	[dreg:$0x1] =	wrdreg $0xFFFFFFFF  }
0xa7: {  	s28 =	simm.s32 $_size_execute0_lowered;
	s3 =	sadd.s32 s3, s5;
	[dreg:$0x0] =	wrdreg $0x0  }
0xa8: {  	s5 =	sshll.u32 s28, $0x1;
	[dreg:$0x2] =	wrdreg s3  }
0xa9: {  	[dreg:$0x3] =	wrdreg s5  }
0xaa: {  	[dreg:$0x4] =	wrdreg $0xC0  }
0xab: {  	_ =	task [dreg:s7], $0x5FFFF  }
0xac: {  	[dreg:$0x1] =	wrdreg $0xFFFFFFFF  }
0xad: {  	[dreg:$0x0] =	wrdreg $0x60  }
0xae: {  	[dreg:$0x2] =	wrdreg s24  }
0xaf: {  	[dreg:$0x3] =	wrdreg s2  }
0xb0: {  	[dreg:$0x4] =	wrdreg $0x9  }
0xb1: {  	_ =	task.clear_ibuf [dreg:s7], $0x5FFFF;
	_ =	strace $0x90000046  }
0xb2: {  	s29 =	simm.s32 $0x9;
	_ =	strace $0x80000048  }
0xb3: {  	_ =	swait.ge [sflag:s29], $0x1  }
0xb4: {  	[sflag:s29] =	ssyncadd.s32 $0xFFFFFFFF  }
0xb5: {  	_ =	strace $0x90000048  }
0xb6: {  	_ =	sfence  }
0xb7: {  	s30 =	sld [smem:$0x0];
	_ =	sdelay $0x2  }
0xb8: {  	s31 =	sshll.u32 s1, $0xD;
	s1 =	sshrl.u32 s1, $0x2  }
0xb9: {  	s3 =	sand.u32 $0x4000, s31;
	s1 =	sadd.s32 s1, s30  }
0xba: {  	s0 =	sor.u32 s3, s0;
	s1 =	sshll.u32 s1, $0x11  }
0xbb: {  	s0 =	sor.u32 s1, s0  }
0xbc: {  	s0 =	sadd.s32 $0x8F2B, s0  }
0xbd: {  	[sflag:s0] =	ssyncadd.remote.s32 $0x1  }
0xbe: {  	_ =	sfence.sel $0xFFFF  }
0xbf: {  	[dreg:$0x0] =	wrdreg $0xFFFFFFFF;
	(pc) =	sbr.abs _section_cstart, $3  }
0xc0: {  	[dreg:$0x1] =	wrdreg $0xFFFFFFFF  }
0xc1: {  	_ =	task.clear_ibuf [dreg:s7], $0x2FFFF;
	_ =	strace $0x9FFFFFFF  }
0xc2: {  	(tm) =	ssettm $0x7FFFFFFF  }
0xc3: {  	_ =	shalt  }
tec
execute0_lowered:
.L_overlay_start_1:
0x0: {  	(tag) =	ssettag $0x1  }
0x1: {  	s4 =	rddreg [dreg:$0x0];
	s1 =	srdreg.scid  }
0x2: {  	s0 =	stileid.u32;
	s15 =	rddreg [dreg:$0x1];
	s2 =	simm.s32 $0x0  }
0x3: {  	s19 =	simm.s32 $0x1900;
	s20 =	simm.s32 $0x2;
	s21 =	simm.s32 $0xE100  }
0x4: {  	s22 =	simm.s32 $0x3;
	s23 =	simm.s32 $0x5;
	s24 =	simm.s32 $0x4  }
0x5: {  	s8 =	sand.u32 $0x1, s1;
	s3 =	sshll.u32 s0, $0x1;
	s13 =	smul.u32 $0x32000, s0  }
0x6: {  	s25 =	simm.s32 $0x6;
	s6 =	sor.u32 s8, s3;
	s16 =	smul.u32 $0x19000, s8  }
0x7: {  	[smem:$0x7FF] =	sst s2;
	s14 =	sadd.s32 $0x800, s4;
	s7 =	smul.u32 $0x19000, s6  }
0x8: {  	s5 =	ssub.s32 $0x2, s8;
	_ =	strace $0x80000047;
	s30 =	smul.u32 $0x32000, s6  }
0x9: {  	s3 =	sadd.s32 $0xFA6C00, s4;
	s9 =	sshrl.u32 s5, $0x1;
	s10 =	smul.u32 $0x190000, s6  }
0xa: {  	s12 =	ssub.s32 s5, s9;
	s13 =	sadd.s32 s16, s13;
	s26 =	sor.u32 $0xC80, s7  }
0xb: {  	s28 =	sshrl.u32 s7, $0x3;
	s6 =	sadd.s32 s15, s30;
	s10 =	sshrl.u32 s10, $0x3  }
0xc: {  	s12 =	smax.u32 s12, $0x1;
	s16 =	sadd.s32 $0x3E80, s13;
	s17 =	sadd.s32 $0x3200, s13  }
0xd: {  	s18 =	sshll.u32 s13, $0x1;
	s29 =	sshrl.u32 s26, $0x3;
	s4 =	sadd.s32 s14, s28  }
0xe: {  	s9 =	sshll.u32 s26, $0x1;
	s11 =	sadd.s32 s15, s10;
	s16 =	sshrl.u32 s16, $0x3  }
0xf: {  	s17 =	sshrl.u32 s17, $0x3;
	s31 =	sadd.s32 s15, s18;
	s18 =	simm.s32 $0x1  }
0x10: {  	s26 =	simm.s32 $0x0;
	s5 =	sadd.s32 s14, s29;
	s7 =	sadd.s32 $0x320, s4  }
0x11: {  	s8 =	sadd.s32 s15, s9;
	s9 =	sadd.s32 $0x4B0, s4;
	s10 =	sadd.s32 $0x2EE00, s11  }
0x12: {  	s11 =	sadd.s32 $0x30700, s11;
	s13 =	sadd.s32 s16, s14;
	s14 =	sadd.s32 s17, s14  }
0x13: {  	s15 =	sadd.s32 $0x3200, s31;
	s16 =	sadd.s32 $0x4B00, s31;
	s17 =	simm.s32 $0xC80  }
.LBB2_1:
0x14: {  	[tilespmem:s2], [sflag:$0x1] =	stream.linear.gather [hbm4b:s4+s2], $0xC80, $0x38;
	[tilespmem:$0x1A900] =	vst v63  }
0x15: {  	_ = 	snop  }
0x16: {  	[tilespmem:s17], [sflag:$0x2] =	stream.linear.gather [hbm4b:s5+s2], $0xC80, $0x38;
	[tilespmem:$0x1A900] =	vst v63  }
0x17: {  	_ =	swait.ge [sflag:s18], $0xC80  }
0x18: {  	[sflag:s18] =	ssyncset.done $0x0  }
0x19: {  	[sflag:s18] =	ssyncadd.s32 $0xFFFFF380  }
0x1a: {  	[tilespmem:s19], [sflag:$0x3] =	stream.indirect.gather [hbm4b:s3+s17], $0x10, s2, s17, $0xb8;
	[tilespmem:$0x1A900] =	vst v63  }
0x1b: {  	_ =	swait.ge [sflag:s20], $0xC80  }
0x1c: {  	[sflag:s20] =	ssyncset.done $0x0  }
0x1d: {  	[sflag:s20] =	ssyncadd.s32 $0xFFFFF380  }
0x1e: {  	[tilespmem:s21], [sflag:$0x4] =	stream.indirect.gather [hbm4b:s3+s17], $0x10, s17, s17, $0xb8;
	[tilespmem:$0x1A900] =	vst v63  }
0x1f: {  	_ =	swait.ge [sflag:s22], $0xC800  }
0x20: {  	[sflag:s22] =	ssyncset.done $0x0  }
0x21: {  	[sflag:s22] =	ssyncadd.s32 $0xFFFF3800  }
0x22: {  	[hbm4b:s6+s2] =	stream.linear.scatter [tilespmem:s19], [sflag:$0x5], $0xC800, $0x38;
	[tilespmem:$0x1A900] =	vst v63  }
0x23: {  	_ = 	snop  }
0x24: {  	[tilespmem:s2], [sflag:$0x1] =	stream.linear.gather [hbm4b:s7+s2], $0xC80, $0x38;
	[tilespmem:$0x1A900] =	vst v63  }
0x25: {  	_ =	swait.ge [sflag:s18], $0xC80  }
0x26: {  	[sflag:s18] =	ssyncset.done $0x0  }
0x27: {  	[sflag:s18] =	ssyncadd.s32 $0xFFFFF380  }
0x28: {  	_ =	swait.ge [sflag:s23], $0xC800  }
0x29: {  	[sflag:s23] =	ssyncset.done $0x0  }
0x2a: {  	[sflag:s23] =	ssyncadd.s32 $0xFFFF3800  }
0x2b: {  	[tilespmem:s19], [sflag:$0x3] =	stream.indirect.gather [hbm4b:s3+s17], $0x10, s2, s17, $0xb8;
	[tilespmem:$0x1A900] =	vst v63  }
0x2c: {  	_ =	swait.ge [sflag:s24], $0xC800  }
0x2d: {  	[sflag:s24] =	ssyncset.done $0x0  }
0x2e: {  	[sflag:s24] =	ssyncadd.s32 $0xFFFF3800  }
0x2f: {  	[hbm4b:s8+s2] =	stream.linear.scatter [tilespmem:s21], [sflag:$0x6], $0xC800, $0x38;
	[tilespmem:$0x1A900] =	vst v63  }
0x30: {  	_ = 	snop  }
0x31: {  	[tilespmem:s17], [sflag:$0x2] =	stream.linear.gather [hbm4b:s9+s2], $0xC80, $0x38;
	[tilespmem:$0x1A900] =	vst v63  }
0x32: {  	_ =	swait.ge [sflag:s20], $0xC80  }
0x33: {  	[sflag:s20] =	ssyncset.done $0x0  }
0x34: {  	[sflag:s20] =	ssyncadd.s32 $0xFFFFF380  }
0x35: {  	_ =	swait.ge [sflag:s25], $0xC800  }
0x36: {  	[sflag:s25] =	ssyncset.done $0x0  }
0x37: {  	[sflag:s25] =	ssyncadd.s32 $0xFFFF3800  }
0x38: {  	[tilespmem:s21], [sflag:$0x4] =	stream.indirect.gather [hbm4b:s3+s17], $0x10, s17, s17, $0xb8;
	[tilespmem:$0x1A900] =	vst v63  }
0x39: {  	_ =	swait.ge [sflag:s22], $0xC800  }
0x3a: {  	[sflag:s22] =	ssyncset.done $0x0  }
0x3b: {  	[sflag:s22] =	ssyncadd.s32 $0xFFFF3800  }
0x3c: {  	[hbm4b:s15+s2] =	stream.linear.scatter [tilespmem:s19], [sflag:$0x5], $0xC800, $0x38;
	[tilespmem:$0x1A900] =	vst v63  }
0x3d: {  	s28 =	sadd.s32 $0x0, s14  }
0x3e: {  	[tilespmem:s2], [sflag:$0x1] =	stream.linear.gather [hbm4b:s28+s2], $0xC80, $0x38;
	[tilespmem:$0x1A900] =	vst v63  }
0x3f: {  	_ =	swait.ge [sflag:s18], $0xC80  }
0x40: {  	[sflag:s18] =	ssyncset.done $0x0  }
0x41: {  	[sflag:s18] =	ssyncadd.s32 $0xFFFFF380  }
0x42: {  	_ =	swait.ge [sflag:s23], $0xC800  }
0x43: {  	[sflag:s23] =	ssyncset.done $0x0  }
0x44: {  	[sflag:s23] =	ssyncadd.s32 $0xFFFF3800  }
0x45: {  	[tilespmem:s19], [sflag:$0x3] =	stream.indirect.gather [hbm4b:s3+s17], $0x10, s2, s17, $0xb8;
	[tilespmem:$0x1A900] =	vst v63  }
0x46: {  	_ =	swait.ge [sflag:s24], $0xC800  }
0x47: {  	s31 =	sadd.s32 $0x0, s13;
	s29 =	sadd.s32 $0x3200, s15;
	[sflag:s24] =	ssyncset.done $0x0  }
0x48: {  	s30 =	sadd.s32 $0x3200, s16;
	s28 =	simm.s32 $0x320;
	[sflag:s24] =	ssyncadd.s32 $0xFFFF3800  }
0x49: {  	[hbm4b:s16+s2] =	stream.linear.scatter [tilespmem:s21], [sflag:$0x6], $0xC800, $0x38;
	[tilespmem:$0x1A900] =	vst v63  }
.LBB2_2:
0x4a: {  	[tilespmem:s17], [sflag:$0x2] =	stream.linear.gather [hbm4b:s31+s2], $0xC80, $0x38;
	[tilespmem:$0x1A900] =	vst v63  }
0x4b: {  	s31 =	smov.u32 s28  }
0x4c: {  	p0 =	sne.s32 s28, $0x28A0;
	s28 =	sadd.s32 $0x320, s28;
	_ =	swait.ge [sflag:s20], $0xC80  }
0x4d: {  	[sflag:s20] =	ssyncset.done $0x0  }
0x4e: {  	[sflag:s20] =	ssyncadd.s32 $0xFFFFF380  }
0x4f: {  	_ =	swait.ge [sflag:s25], $0xC800  }
0x50: {  	[sflag:s25] =	ssyncset.done $0x0  }
0x51: {  	[sflag:s25] =	ssyncadd.s32 $0xFFFF3800  }
0x52: {  	[tilespmem:s21], [sflag:$0x4] =	stream.indirect.gather [hbm4b:s3+s17], $0x10, s17, s17, $0xb8;
	[tilespmem:$0x1A900] =	vst v63  }
0x53: {  	_ =	swait.ge [sflag:s22], $0xC800  }
0x54: {  	[sflag:s22] =	ssyncset.done $0x0  }
0x55: {  	[sflag:s22] =	ssyncadd.s32 $0xFFFF3800  }
0x56: {  	[hbm4b:s29+s2] =	stream.linear.scatter [tilespmem:s19], [sflag:$0x5], $0xC800, $0x38;
	[tilespmem:$0x1A900] =	vst v63  }
0x57: {  	s1 =	sadd.s32 s31, s14  }
0x58: {  	[tilespmem:s2], [sflag:$0x1] =	stream.linear.gather [hbm4b:s1+s2], $0xC80, $0x38;
	[tilespmem:$0x1A900] =	vst v63  }
0x59: {  	_ =	swait.ge [sflag:s18], $0xC80  }
0x5a: {  	[sflag:s18] =	ssyncset.done $0x0  }
0x5b: {  	[sflag:s18] =	ssyncadd.s32 $0xFFFFF380  }
0x5c: {  	_ =	swait.ge [sflag:s23], $0xC800  }
0x5d: {  	[sflag:s23] =	ssyncset.done $0x0  }
0x5e: {  	[sflag:s23] =	ssyncadd.s32 $0xFFFF3800  }
0x5f: {  	[tilespmem:s19], [sflag:$0x3] =	stream.indirect.gather [hbm4b:s3+s17], $0x10, s2, s17, $0xb8;
	[tilespmem:$0x1A900] =	vst v63  }
.Ltmp0:
0x60: {  	_ =	swait.ge [sflag:s24], $0xC800;
	(pc) =	sbr.rel @p0 .LBB2_2-.Ltmp0, $4  }
0x61: {  	[sflag:s24] =	ssyncset.done $0x0  }
0x62: {  	[sflag:s24] =	ssyncadd.s32 $0xFFFF3800  }
0x63: {  	[hbm4b:s30+s2] =	stream.linear.scatter [tilespmem:s21], [sflag:$0x6], $0xC800, $0x38;
	[tilespmem:$0x1A900] =	vst v63  }
0x64: {  	s31 =	sadd.s32 s31, s13;
	s29 =	sadd.s32 $0x3200, s29;
	s30 =	sadd.s32 $0x3200, s30  }
0x65: {  	[tilespmem:s17], [sflag:$0x2] =	stream.linear.gather [hbm4b:s31+s2], $0xC80, $0x38;
	[tilespmem:$0x1A900] =	vst v63  }
0x66: {  	_ =	swait.ge [sflag:s20], $0xC80  }
0x67: {  	[sflag:s20] =	ssyncset.done $0x0  }
0x68: {  	[sflag:s20] =	ssyncadd.s32 $0xFFFFF380  }
0x69: {  	_ =	swait.ge [sflag:s25], $0xC800  }
0x6a: {  	[sflag:s25] =	ssyncset.done $0x0  }
0x6b: {  	[sflag:s25] =	ssyncadd.s32 $0xFFFF3800  }
0x6c: {  	[tilespmem:s21], [sflag:$0x4] =	stream.indirect.gather [hbm4b:s3+s17], $0x10, s17, s17, $0xb8;
	[tilespmem:$0x1A900] =	vst v63  }
0x6d: {  	_ =	swait.ge [sflag:s22], $0xC800  }
0x6e: {  	[sflag:s22] =	ssyncset.done $0x0  }
0x6f: {  	[sflag:s22] =	ssyncadd.s32 $0xFFFF3800  }
0x70: {  	[hbm4b:s10+s2] =	stream.linear.scatter [tilespmem:s19], [sflag:$0x5], $0xC800, $0x38;
	[tilespmem:$0x1A900] =	vst v63  }
0x71: {  	_ =	swait.ge [sflag:s24], $0xC800  }
0x72: {  	[sflag:s24] =	ssyncset.done $0x0  }
0x73: {  	s26 =	sadd.s32 $0x1, s26;
	[sflag:s24] =	ssyncadd.s32 $0xFFFF3800  }
0x74: {  	[hbm4b:s11+s2] =	stream.linear.scatter [tilespmem:s21], [sflag:$0x6], $0xC800, $0x38;
	[tilespmem:$0x1A900] =	vst v63  }
0x75: {  	p0 =	sne.s32 s26, s12;
	_ =	swait.ge [sflag:s23], $0xC800  }
.Ltmp1:
0x76: {  	[sflag:s23] =	ssyncset.done $0x0;
	(pc) =	sbr.rel @p0 .LBB2_1-.Ltmp1, $4  }
0x77: {  	[sflag:s23] =	ssyncadd.s32 $0xFFFF3800  }
0x78: {  	_ =	swait.ge [sflag:s25], $0xC800  }
0x79: {  	[sflag:s25] =	ssyncset.done $0x0  }
0x7a: {  	[sflag:s25] =	ssyncadd.s32 $0xFFFF3800  }
0x7b: {  	_ =	sfence.sel $0x180000  }
0x7c: {  	[bflag:$0x0] =	sbarrier.arrive $0xFFFF  }
0x7d: {  	_ =	strace $0x90000047  }
0x7e: {  	[bflag:$0x2] =	sbarrier.arrive $0xFFFF  }
0x7f: {  	p0 =	sne.s32 s0, $0x0;
	s0 =	rddreg [dreg:$0x2]  }
0x80: {  	s0 =	sadd.s32 @!p0 $0x100000, s0  }
0x81: {  	[sflag:s0] =	ssyncadd.tile.s32 @!p0 $0x1;
	_ =	shalt  }
.Lfunc_end2:
_tile_overlayer_lowered:
.L_overlay_start_2:
0x82: {  	(tag) =	ssettag $0x2  }
0x83: {  	s0 =	rddreg [dreg:$0x0];
	s2 =	stileid.u32  }
0x84: {  	s1 =	rddreg [dreg:$0x1];
	p0 =	sne.s32 s2, $0x0  }
0x85: {  	s3 =	rddreg [dreg:$0x2];
	[bflag:$0x3] =	sbarrier.arrive $0xFFFF;
	s2 =	simm.s32 @!p0 $0x1C07  }
0x86: {  	[timem:s3], [sflag:s2] =	dma.local @!p0 [hbm:s0], s1  }
0x87: {  	s0 =	simm.s32 @!p0 $0x7  }
0x88: {  	_ =	swait.ge @!p0 [sflag:s0], s1  }
0x89: {  	s1 =	ssub.s32 @!p0 $0x0, s1;
	[sflag:s0] =	ssyncset.done @!p0 $0x0  }
0x8a: {  	[sflag:s0] =	ssyncadd.s32 @!p0 s1  }
0x8b: {  	[bflag:$0x3] =	sbarrier.arrive $0xFFFF  }
0x8c: {  	_ =	shalt  }

// kernel: sparse-core-data-format-call.cloned.1.call-start
scs
called_computation_lowered:
.L_overlay_start_0:
0x0: {  	s2 =	sld [smem:$0x3FD9]  }
0x1: {  	s3 =	sld [smem:$0x3FFE];
	_ =	sdelay $0x1  }
0x2: {  	s1 =	srdreg.scid  }
0x3: {  	s0 =	sand.u32 $0x1, s1  }
0x4: {  	s18 =	sshll.u32 s0, $0xA;
	s2 =	sadd.s32 s3, s2  }
0x5: {  	s2 =	sadd.s32 s2, s18  }
0x6: {  	[smem:$0x3FC6] =	sst s2  }
0x7: {  	_ = 	snop  }
0x8: {  	s2 =	sld [smem:$0x3FD0];
	(tm) =	ssettm $0x1  }
0x9: {  	s19 =	sld [smem:$0x3FFB];
	_ =	sdelay $0x3  }
0xa: {  	_ =	strace s19  }
0xb: {  	s3 =	sld [smem:$0x3FFC];
	_ =	sdelay $0x3  }
0xc: {  	_ =	strace s3  }
0xd: {  	s3 =	sld [smem:$0x3FFD];
	_ =	sdelay $0x3  }
0xe: {  	_ =	strace s3  }
0xf: {  	_ =	strace $0x8FFFFFFF  }
0x10: {  	s20 =	sld [smem:$0x3FDB];
	_ =	sdelay $0x1  }
0x11: {  	s4 =	simm.s32 $_scs_section_size  }
0x12: {  	s5 =	simm.s32 $_size__tile_overlayer_lowered;
	s6 =	simm.s32 $_tile_overlayer_lowered  }
0x13: {  	s23 =	simm.s32 $0x1BFF;
	s22 =	sshll.u32 s6, $0x1;
	s3 =	sadd.s32 s4, s20  }
0x14: {  	s7 =	simm.s32 $0x0;
	s21 =	sshll.u32 s5, $0x1;
	s5 =	sadd.s32 s22, s3  }
0x15: {  	[timem:s7], [sflag:s23] =	dma.local [hbm:s5], s21  }
0x16: {  	_ =	swait.ge [sflag:s23], s21  }
0x17: {  	s4 =	ssub.s32 $0x0, s21;
	[sflag:s23] =	ssyncset.done $0x0  }
0x18: {  	[sflag:s23] =	ssyncadd.s32 s4;
	_ =	sdelay $0x1  }
0x19: {  	s24 =	simm.s32 $0x1B8B  }
0x1a: {  	_ =	swait.ge [sflag:s24], $0x1  }
0x1b: {  	[sflag:s24] =	ssyncset.done $0x0  }
0x1c: {  	s26 =	simm.s32 $0x1B8E;
	s25 =	sld [smem:$0x3FFE];
	[sflag:s24] =	ssyncadd.s32 $0xFFFFFFFF  }
0x1d: {  	s27 =	simm.s32 $execute0_lowered;
	[smem:$0x3FD2] =	sst s26  }
0x1e: {  	s5 =	sshll.u32 s27, $0x1;
	_ =	strace $0x80000049;
	[dreg:$0x1] =	wrdreg $0xFFFFFFFF  }
0x1f: {  	s28 =	simm.s32 $_size_execute0_lowered;
	s3 =	sadd.s32 s3, s5;
	[dreg:$0x0] =	wrdreg $0x0  }
0x20: {  	s5 =	sshll.u32 s28, $0x1;
	[dreg:$0x2] =	wrdreg s3  }
0x21: {  	[dreg:$0x3] =	wrdreg s5  }
0x22: {  	[dreg:$0x4] =	wrdreg $0xC0  }
0x23: {  	_ =	task [dreg:s7], $0x5FFFF  }
0x24: {  	[dreg:$0x1] =	wrdreg $0xFFFFFFFF  }
0x25: {  	[dreg:$0x0] =	wrdreg $0x60  }
0x26: {  	[dreg:$0x2] =	wrdreg s25  }
0x27: {  	[dreg:$0x3] =	wrdreg s2  }
0x28: {  	[dreg:$0x4] =	wrdreg $0x9  }
0x29: {  	_ =	task.clear_ibuf [dreg:s7], $0x5FFFF;
	_ =	strace $0x90000049  }
0x2a: {  	s29 =	simm.s32 $0x9;
	_ =	strace $0x8000004B  }
0x2b: {  	_ =	swait.ge [sflag:s29], $0x1  }
0x2c: {  	[sflag:s29] =	ssyncadd.s32 $0xFFFFFFFF  }
0x2d: {  	_ =	strace $0x9000004B  }
0x2e: {  	_ =	sfence  }
0x2f: {  	s30 =	sld [smem:$0x0];
	_ =	sdelay $0x2  }
0x30: {  	s31 =	sshll.u32 s1, $0xD;
	s1 =	sshrl.u32 s1, $0x2  }
0x31: {  	s3 =	sand.u32 $0x4000, s31;
	s1 =	sadd.s32 s1, s30  }
0x32: {  	s0 =	sor.u32 s3, s0;
	s1 =	sshll.u32 s1, $0x11  }
0x33: {  	s0 =	sor.u32 s1, s0  }
0x34: {  	s0 =	sadd.s32 $0x8F2B, s0  }
0x35: {  	[sflag:s0] =	ssyncadd.remote.s32 $0x1  }
0x36: {  	_ =	sfence.sel $0xFFFF  }
0x37: {  	[dreg:$0x0] =	wrdreg $0xFFFFFFFF;
	(pc) =	sbr.abs _section_cstart, $3  }
0x38: {  	[dreg:$0x1] =	wrdreg $0xFFFFFFFF  }
0x39: {  	_ =	task.clear_ibuf [dreg:s7], $0x2FFFF;
	_ =	strace $0x9FFFFFFF  }
0x3a: {  	(tm) =	ssettm $0x7FFFFFFF  }
0x3b: {  	_ =	shalt  }
tec
execute0_lowered:
.L_overlay_start_1:
0x0: {  	(tag) =	ssettag $0x1  }
0x1: {  	s0 =	srdreg.scid  }
0x2: {  	s1 =	sshll.u32 s0, $0x4  }
0x3: {  	s0 =	stileid.u32;
	s1 =	sand.u32 $0x10, s1  }
0x4: {  	s1 =	sor.u32 s0, s1  }
0x5: {  	s6 =	rddreg [dreg:$0x0];
	s4 =	simm.s32 $0x1;
	s2 =	sshll.u32 s1, $0x7  }
0x6: {  	s7 =	simm.s32 $0x2;
	s12 =	simm.s32 $0x0;
	s1 =	ssub.s32 $0x4000, s2  }
0x7: {  	s8 =	simm.s32 $0x20000;
	s13 =	simm.s32 $0x0;
	s3 =	sand.u32 $0xF80, s1  }
0x8: {  	s9 =	simm.s32 $0x0;
	s5 =	sshrl.u32 s1, $0xC;
	p0 =	sne.s32 s3, $0x0  }
.Ltmp0:
0x9: {  	s1 =	rddreg [dreg:$0x2];
	s4 =	simm.s32 @!p0 $0x0;
	(pc) =	sbr.rel .LBB1_1-.Ltmp0, $4  }
0xa: {  	s11 =	simm.s32 $0x0;
	s3 =	rddreg [dreg:$0x1];
	s5 =	sadd.s32 s4, s5  }
0xb: {  	_ =	strace $0x8000004A;
	s4 =	simm.s32 $0x1;
	s5 =	smul.u32 $0xC8, s5  }
0xc: {  	s6 =	sadd.s32 $0x800, s6;
	s10 =	smov.u32 s2;
	[sflag:s4] =	ssyncpa.u1 $0x0  }
0xd: {  	p0 =	por $0x0, $0x0;
	[sflag:s7] =	ssyncpa.u1 $0x0;
	s7 =	sor.u32 $0x1, s5  }
.LBB1_4:
0xe: {  	s16 =	sshll.u32 s13, $0x3;
	s17 =	sand.u32 $0x78, s13  }
0xf: {  	s30 =	sand.u32 $0x7800, s13;
	s12 =	sshll.u32 s12, $0xF;
	s16 =	sand.u32 $0x3C00, s16  }
0x10: {  	s31 =	sand.u32 $0x7, s13;
	s16 =	sor.u32 s17, s16;
	s17 =	sadd.s32 s3, s30  }
0x11: {  	s13 =	sshll.u32 s31, $0x12;
	s16 =	sshrl.u32 s16, $0x3;
	s12 =	sadd.s32 s12, s17  }
0x12: {  	[tilespmem:s15+$0x0 ss:$0x81] =	vst.msk $0xffff, v1;
	s13 =	sor.u32 $0x400, s13;
	s12 =	sadd.s32 s16, s12  }
0x13: {  	[hbm4b:s12+s13] =	stream.strided.scatter [tilespmem:s14], [sflag:$0x2], $0x800, s8, s13, $0x20;
	[tilespmem:$0x2020] =	vst v63  }
.LBB1_5:
0x14: {  	s14 =	sadd.s32 $0x1, s9  }
0x15: {  	s12 =	sadd.s32 $0x1000, s10;
	s16 =	smov.u32 s10;
	p2 =	sgt.s32 s14, $0xC7  }
0x16: {  	s16 =	smov.u32 @p2 s12  }
0x17: {  	s14 =	simm.s32 @p2 $0x0;
	p2 =	sgt.s32 s16, $0x3FFF  }
0x18: {  	s16 =	smov.u32 @p2 s2;
	p2 =	sne.s32 s11, s7  }
.Ltmp1:
0x19: {  	p1 =	slt.u32 s11, $0x2;
	(pc) =	sbr.rel @!p2 .LBB1_6-.Ltmp1, $4  }
0x1a: {  	s15 =	simm.s32 @!p1 $0x2  }
0x1b: {  	s13 =	smov.u32 s10;
	p0 =	por !p0, !p0;
	_ =	swait.ge @!p1 [sflag:s15], $0x800  }
0x1c: {  	s12 =	smov.u32 s9;
	[sflag:s15] =	ssyncset.done @!p1 $0x0;
	s9 =	smov.u32 s14  }
0x1d: {  	s11 =	sadd.s32 $0x1, s11;
	[sflag:s15] =	ssyncadd.s32 @!p1 $0xFFFFF800;
	s10 =	smov.u32 s16  }
.LBB1_1:
0x1e: {  	p1 =	sge.u32 s11, s5  }
0x1f: {  	s14 =	sand.u32 @!p1 $0x1FFFFFF, s9  }
0x20: {  	s15 =	smulhi.u32 @!p1 $0x147AE15, s14;
	_ =	sdelay $0x1  }
0x21: {  	s15 =	smul.u32 @!p1 $0xC8, s15  }
0x22: {  	s16 =	sxor.u32 @!p1 $0xFFFFFFFF, s11;
	s17 =	smul.u32 @!p1 $0xC80, s10  }
0x23: {  	s31 =	sadd.s32 $0xFFFFFFFF, s11;
	s16 =	sshll.u32 @!p1 s16, $0xB;
	s14 =	ssub.s32 @!p1 s14, s15  }
0x24: {  	s15 =	sand.u32 @!p1 $0x800, s16;
	s16 =	sadd.s32 @!p1 s6, s17;
	s14 =	sshll.u32 @!p1 s14, $0x4  }
0x25: {  	s17 =	simm.s32 @!p1 $0x6400;
	s14 =	sadd.s32 @!p1 s14, s16;
	s16 =	simm.s32 @!p1 $0x10  }
0x26: {  	[tilespmem:s15], [sflag:$0x1] =	stream.strided.gather @!p1 [hbm4b:s14+s16], $0x800, s17, s16, $0x38;
	[tilespmem:$0x2020] =	vst v63  }
0x27: {  	p1 =	sge.u32 s31, s5  }
.Ltmp2:
0x28: {  	_ = 	snop;
	(pc) =	sbr.rel @p1 .LBB1_5-.Ltmp2, $1  }
0x29: {  	_ =	sdelay $0x3  }
0x2a: {  	s14 =	simm.s32 $0x1  }
0x2b: {  	s14 =	simm.s32 @!p0 $0x0  }
0x2c: {  	s15 =	sshll.u32 s14, $0xB  }
0x2d: {  	v0 =	vmov s15;
	_ =	sdelay $0x1  }
0x2e: {  	_ =	swait.ge [sflag:s4], $0x800  }
0x2f: {  	s31 =	sand.u32 $0x1, s11;
	[sflag:s4] =	ssyncset.done $0x0  }
0x30: {  	s17 =	simm.s32 $0x0;
	s14 =	smul.u32 $0x2040, s14;
	[sflag:s4] =	ssyncadd.s32 $0xFFFFF800  }
0x31: {  	s15 =	smul.u32 $0x2040, s31;
	v1 =	vld.idx.msk [tilespmem:v0+s17+$0x0 ss:$0x1], $0xffff;
	_ =	sdelay $0x1  }
0x32: {  	s14 =	sshrl.u32 s14, $0x2;
	s16 =	sshrl.u32 s15, $0x2  }
0x33: {  	s15 =	sor.u32 $0x1000, s14;
	s14 =	sor.u32 $0x1000, s16;
	s16 =	simm.s32 $0x40  }
.LBB1_3:
0x34: {  	s17 =	sshra.s32 s16, $0x2;
	p1 =	sne.s32 s16, $0x1FC0;
	s16 =	sadd.s32 $0x40, s16  }
.Ltmp3:
0x35: {  	[tilespmem:s15+$0x0 ss:$0x81] =	vst.msk $0xffff, v1;
	v1 =	vld.idx.msk [tilespmem:v0+s17+$0x0 ss:$0x1], $0xffff;
	(pc) =	sbr.rel @p1 .LBB1_3-.Ltmp3, $2  }
0x36: {  	_ =	sdelay $0x2  }
0x37: {  	s15 =	sadd.s32 $0x1, s15  }
.Ltmp4:
0x38: {  	_ = 	snop;
	(pc) =	sbr.rel .LBB1_4-.Ltmp4, $1  }
0x39: {  	_ =	sdelay $0x3  }
.LBB1_6:
0x3a: {  	_ =	sfence.sel $0x180000  }
0x3b: {  	s2 =	simm.s32 $0x1;
	[bflag:$0x0] =	sbarrier.arrive $0xFFFF  }
0x3c: {  	s31 =	simm.s32 $0x2;
	[sflag:s2] =	ssyncpa.u1 $0x1  }
0x3d: {  	[sflag:s31] =	ssyncpa.u1 $0x1  }
0x3e: {  	p0 =	sne.s32 s0, $0x0;
	_ =	strace $0x9000004A  }
0x3f: {  	s0 =	sadd.s32 @!p0 $0x100000, s1;
	[bflag:$0x2] =	sbarrier.arrive $0xFFFF  }
0x40: {  	[sflag:s0] =	ssyncadd.tile.s32 @!p0 $0x1;
	_ =	shalt  }
.Lfunc_end1:
_tile_overlayer_lowered:
.L_overlay_start_2:
0x41: {  	(tag) =	ssettag $0x2  }
0x42: {  	s0 =	rddreg [dreg:$0x0];
	s2 =	stileid.u32  }
0x43: {  	s1 =	rddreg [dreg:$0x1];
	p0 =	sne.s32 s2, $0x0  }
0x44: {  	s3 =	rddreg [dreg:$0x2];
	[bflag:$0x3] =	sbarrier.arrive $0xFFFF;
	s2 =	simm.s32 @!p0 $0x1C01  }
0x45: {  	[timem:s3], [sflag:s2] =	dma.local @!p0 [hbm:s0], s1  }
0x46: {  	s0 =	simm.s32 @!p0 $0x1  }
0x47: {  	_ =	swait.ge @!p0 [sflag:s0], s1  }
0x48: {  	s1 =	ssub.s32 @!p0 $0x0, s1;
	[sflag:s0] =	ssyncset.done @!p0 $0x0  }
0x49: {  	[sflag:s0] =	ssyncadd.s32 @!p0 s1  }
0x4a: {  	[bflag:$0x3] =	sbarrier.arrive $0xFFFF  }
0x4b: {  	_ =	shalt  }

</sc_bundles>
